<compile_context>
chip_gen: v7x
topology: tpu7x:2x2x1
jax: 0.10.2.dev20260603
libtpu: 0.0.44.dev20260713+nightly
codegen_flags: <defaults>
</compile_context>

<pallas_src>
import functools

import jax
import jax.numpy as jnp
from jax import lax
from jax.experimental import pallas as pl
from jax.experimental.pallas import tpu as pltpu
from jax.experimental.pallas import tpu_sc as plsc

VOCAB_SIZE = 1000000
D_MODEL = 64
NUM_CORES = 2
NUM_SUBCORES = 16
NUM_WORKERS = NUM_CORES * NUM_SUBCORES

SLAB = 128
NSLAB_FULL = VOCAB_SIZE // SLAB
SLAB_REM = VOCAB_SIZE - NSLAB_FULL * SLAB
REM_V0 = NSLAB_FULL * SLAB

N_BATCH = 16384
N_SEQ = 50
B_TOTAL = N_BATCH * N_SEQ
B_PER_W = B_TOTAL // NUM_WORKERS
BATCH_PER_W = N_BATCH // NUM_WORKERS
B_BLK = 128
R_BLK = 1
CHUNK = B_BLK * R_BLK
NCHUNK = (BATCH_PER_W // B_BLK) * (N_SEQ // R_BLK)


def _worker_id():
    return lax.axis_index("s") * NUM_CORES + lax.axis_index("c")


@jax.jit
def _prep_kernel(table_t, table_rem):
    mesh = plsc.VectorSubcoreMesh(core_axis_name="c", subcore_axis_name="s")

    @functools.partial(
        pl.kernel,
        mesh=mesh,
        out_type=jax.ShapeDtypeStruct((VOCAB_SIZE, 2 * D_MODEL), jnp.float32),
        compiler_params=pltpu.CompilerParams(use_tc_tiling_on_sc=True, needs_layout_passes=False),
        scratch_types=[
            pltpu.VMEM((D_MODEL, SLAB), jnp.float32),
            pltpu.VMEM((SLAB, 2 * D_MODEL), jnp.float32),
        ],
    )
    def k(tt_hbm, rem_hbm, tdup_hbm, slab_v, tslab_v):
        wid = _worker_id()
        lanes = lax.broadcasted_iota(jnp.int32, (16,), 0)
        n_slabs = jnp.where(wid < NSLAB_FULL % NUM_WORKERS,
                            NSLAB_FULL // NUM_WORKERS + 1,
                            NSLAB_FULL // NUM_WORKERS)

        def transpose_slab(width):
            def do_col(vloc, c2):
                vsplat = jnp.broadcast_to(vloc, (16,))
                for dg in range(D_MODEL // 16):
                    vals = plsc.load_gather(slab_v, [dg * 16 + lanes, vsplat])
                    tslab_v[vloc, pl.ds(dg * 16, 16)] = vals
                return c2

            lax.fori_loop(0, width, do_col, 0, unroll=2)

        def do_slab(s, carry):
            v0 = (wid + s * NUM_WORKERS) * SLAB
            pltpu.sync_copy(tt_hbm.at[:, pl.ds(v0, SLAB)], slab_v)
            transpose_slab(SLAB)
            pltpu.sync_copy(tslab_v, tdup_hbm.at[pl.ds(v0, SLAB)])
            return carry

        lax.fori_loop(0, n_slabs, do_slab, 0)

        @pl.when(wid == NUM_WORKERS - 1)
        def _():
            pltpu.sync_copy(rem_hbm, slab_v)
            transpose_slab(SLAB_REM)
            pltpu.sync_copy(
                tslab_v.at[pl.ds(0, SLAB_REM)],
                tdup_hbm.at[pl.ds(REM_V0, SLAB_REM)],
            )

    return k(table_t, table_rem)


@jax.jit
def _gather_kernel(idx, tdup):
    mesh = plsc.VectorSubcoreMesh(core_axis_name="c", subcore_axis_name="s")

    @functools.partial(
        pl.kernel,
        mesh=mesh,
        out_type=jax.ShapeDtypeStruct((N_SEQ * D_MODEL, N_BATCH), jnp.float32),
        compiler_params=pltpu.CompilerParams(use_tc_tiling_on_sc=True, needs_layout_passes=False),
        scratch_types=[
            pltpu.VMEM((B_PER_W,), jnp.int32),
            pltpu.VMEM((2, CHUNK), jnp.int32),
            pltpu.VMEM((2, CHUNK, 2 * D_MODEL), jnp.float32),
            pltpu.VMEM((R_BLK * D_MODEL, B_BLK), jnp.float32),
            pltpu.SemaphoreType.DMA,
            pltpu.SemaphoreType.DMA,
            pltpu.SemaphoreType.DMA,
        ],
    )
    def k(idx_hbm, tdup_hbm, out_hbm, idxf, idxc, rows_v, tbuf_v, g0, g1, wsem):
        wid = _worker_id()
        base = wid * B_PER_W
        b0w = wid * BATCH_PER_W
        gsem = (g0, g1)
        lanes = lax.broadcasted_iota(jnp.int32, (16,), 0)
        lanes50 = lanes * N_SEQ

        pltpu.sync_copy(idx_hbm.at[pl.ds(base, B_PER_W)], idxf)

        def chunk_coords(c):
            blk = c // (N_SEQ // R_BLK)
            r0 = (c % (N_SEQ // R_BLK)) * R_BLK
            return blk, r0

        def build_idxc(c, buf):
            blk, r0 = chunk_coords(c)

            def do_g(g, c2):
                src0 = (blk * B_BLK + g * 16) * N_SEQ + r0
                vals = plsc.load_gather(idxf, [lanes50 + src0])
                idxc[buf, pl.ds(g * 16, 16)] = vals
                return c2

            lax.fori_loop(0, B_BLK // 16, do_g, 0, unroll=2)

        def gather_desc(b):
            return pltpu.make_async_copy(
                tdup_hbm.at[idxc.at[b]], rows_v.at[b], gsem[b]
            )

        def out_desc(c):
            blk, r0 = chunk_coords(c)
            return pltpu.make_async_copy(
                tbuf_v,
                out_hbm.at[
                    pl.ds(r0 * D_MODEL, R_BLK * D_MODEL),
                    pl.ds(b0w + blk * B_BLK, B_BLK),
                ],
                wsem,
            )

        build_idxc(0, 0)
        gather_desc(0).start()

        def do_group(grp, carry):
            for b in range(2):
                c = grp * 2 + b
                nb = 1 - b

                @pl.when(c + 1 < NCHUNK)
                def _():
                    build_idxc(c + 1, nb)
                    gather_desc(nb).start()

                gather_desc(b).wait()

                @pl.when(c >= 1)
                def _():
                    out_desc(c - 1).wait()

                def do_p(d, c2):
                    dsplat = jnp.broadcast_to(d, (16,))
                    for g in range(B_BLK // 16):
                        vals = plsc.load_gather(
                            rows_v.at[b],
                            [g * 16 + lanes, dsplat],
                        )
                        tbuf_v[d, pl.ds(g * 16, 16)] = vals
                    return c2

                lax.fori_loop(0, R_BLK * D_MODEL, do_p, 0)

                out_desc(c).start()
            return carry

        lax.fori_loop(0, NCHUNK // 2, do_group, 0)
        out_desc(NCHUNK - 1).wait()

    return k(idx, tdup)


def kernel(x, table):
    idx = x.reshape(-1).astype(jnp.int32)
    table_t = table.T
    rem = jnp.pad(table_t[:, REM_V0:], ((0, 0), (0, SLAB - SLAB_REM)))
    tdup = _prep_kernel(table_t, rem)
    out3 = _gather_kernel(idx, tdup)
    return out3.reshape(N_SEQ, D_MODEL, N_BATCH).transpose(2, 0, 1)

# --- scband reference (transcript-rebuilt; emitter-appended) ---
"""Pipeline reference for scband-embedder-2439541424864 (READ-ONLY COPY).

The authoritative reference and input builder live on the scoring server;
editing this copy changes nothing except your own understanding.
"""

import jax, jax.numpy as jnp
import numpy as np

VOCAB = 1000000
D_MODEL = 64

def setup_inputs(seed: int = 0) -> dict:
    key = jax.random.key(seed)
    k1, k2 = jax.random.split(key)
    x = jax.random.randint(k1, (16384, 50), 0, VOCAB, dtype=jnp.int64 if jax.config.jax_enable_x64 else jnp.int32)
    table = jax.random.normal(k2, (VOCAB, D_MODEL), dtype=jnp.float32)
    return {"x": x, "table": table}

def reference(x, table):
    # nn.Embedding forward: gather rows of the weight table by index
    return jnp.take(table, x, axis=0)

if __name__ == "__main__":
    import jax
    _d = setup_inputs()
    print(jax.jit(kernel)(*tuple(_d.values())))

</pallas_src>

<mosaic_0001>
#map = affine_map<(d0, d1) -> (0, 0)>
module attributes {stable_mosaic.version = 14 : i64} {
  func.func @k(%arg0: i32, %arg1: i32, %arg2: memref<64x1000000xf32, #tpu.memory_space<hbm>>, %arg3: memref<64x128xf32, #tpu.memory_space<hbm>>, %arg4: memref<1000000x128xf32, #tpu.memory_space<hbm>>, %arg5: memref<64x128xf32, #tpu.memory_space<vmem>>, %arg6: memref<128x128xf32, #tpu.memory_space<vmem>>) attributes {dimension_semantics = [#tpu.dimension_semantics<core_parallel>, #tpu.dimension_semantics<subcore_parallel>], iteration_bounds = array<i64: 2, 16>, scalar_prefetch = 0 : i64, scratch_operands = 2 : i64, tpu.core_type = #tpu.core_type<sc_vector_subcore>, window_params = [{transform_indices = #map}, {transform_indices = #map}, {transform_indices = #map}]} {
    %mul3A = arith.constant 2 : i32
    %mul3A_0 = arith.muli %arg1, %mul3A : i32
    %add3A = arith.addi %mul3A_0, %arg0 : i32
    %iota3A = tpu.iota {dimensions = array<i32: 0>} : vector<16xi32>
    %lt3A = arith.constant 4 : i32
    %lt3A_1 = arith.cmpi slt, %add3A, %lt3A : i32
    %jit3A = arith.constant 245 : i32
    %jit3A_2 = arith.constant 244 : i32
    %select_n3A = arith.select %lt3A_1, %jit3A, %jit3A_2 : i32
    %while3A = arith.constant 0 : i32
    %while3A_3 = arith.constant 0 : i32
    %while3A_4 = arith.subi %select_n3A, %while3A_3 : i32
    %while3A_5 = arith.addi %while3A_3, %while3A_4 : i32
    %while3A_6 = arith.constant 1 : i32
    %while3A_7 = arith.divsi %while3A_4, %while3A_6 : i32
    %while3A_8 = arith.muli %while3A_7, %while3A_6 : i32
    %while3A_9 = arith.addi %while3A_3, %while3A_8 : i32
    %while3A_10 = arith.constant 1 : i32
    scf.for %while3A_14 = %while3A_3 to %while3A_9 step %while3A_10  : i32 {
      %mul3A_15 = arith.constant 32 : i32
      %mul3A_16 = arith.muli %while3A_14, %mul3A_15 : i32
      %add3A_17 = arith.addi %add3A, %mul3A_16 : i32
      %mul3A_18 = arith.constant 128 : i32
      %mul3A_19 = arith.muli %add3A_17, %mul3A_18 : i32
      "tpu.region"() ({
        %run_scoped3A = tpu.sem_alloc : memref<!tpu.dma_semaphore, #tpu.memory_space<semaphore_mem>>
        %dma_start3A = arith.constant 0 : i32
        %dma_start3A_25 = tpu.memref_slice %arg2[%dma_start3A, %mul3A_19] : memref<64x1000000xf32, #tpu.memory_space<hbm>> -> memref<64x128xf32, #tpu.memory_space<hbm>>
        %dma_start3A_26 = arith.constant 0 : i32
        %dma_start3A_27 = tpu.memref_slice %arg2[%dma_start3A_26, %mul3A_19] : memref<64x1000000xf32, #tpu.memory_space<hbm>> -> memref<64x128xf32, #tpu.memory_space<hbm>>
        tpu.enqueue_dma source(%dma_start3A_27 : memref<64x128xf32, #tpu.memory_space<hbm>>) target(%arg5 : memref<64x128xf32, #tpu.memory_space<vmem>>) target_semaphore(%run_scoped3A : memref<!tpu.dma_semaphore, #tpu.memory_space<semaphore_mem>>)
        %dma_wait3A = arith.constant 0 : i32
        %dma_wait3A_28 = tpu.memref_slice %arg2[%dma_wait3A, %mul3A_19] : memref<64x1000000xf32, #tpu.memory_space<hbm>> -> memref<64x128xf32, #tpu.memory_space<hbm>>
        %dma_wait3A_29 = arith.constant 0 : i32
        %dma_wait3A_30 = tpu.memref_slice %arg2[%dma_wait3A_29, %mul3A_19] : memref<64x1000000xf32, #tpu.memory_space<hbm>> -> memref<64x128xf32, #tpu.memory_space<hbm>>
        tpu.wait_dma2 semaphore(%run_scoped3A : memref<!tpu.dma_semaphore, #tpu.memory_space<semaphore_mem>>) src(%dma_wait3A_30 : memref<64x128xf32, #tpu.memory_space<hbm>>) dst(%arg5 : memref<64x128xf32, #tpu.memory_space<vmem>>)
        tpu.yield
      }) : () -> ()
      %scan3A = arith.constant 0 : i32
      %scan3A_20 = arith.constant 0 : i32
      %scan3A_21 = arith.constant 128 : i32
      %scan3A_22 = arith.addi %scan3A_20, %scan3A_21 : i32
      %scan3A_23 = arith.constant 2 : i32
      scf.for %scan3A_25 = %scan3A_20 to %scan3A_22 step %scan3A_23  : i32 {
        %broadcast_in_dim3A = vector.broadcast %scan3A_25 : i32 to vector<16xi32>
        %add3A_26 = arith.constant 0 : i32
        %add3A_27 = vector.broadcast %add3A_26 : i32 to vector<16xi32>
        %add3A_28 = arith.addi %add3A_27, %iota3A : vector<16xi32>
        %gather3A = tpu.vector_load_idx %arg5[%add3A_28, %broadcast_in_dim3A] : memref<64x128xf32, #tpu.memory_space<vmem>>[vector<16xi32>, vector<16xi32>], vector<16xf32>,
        %swap3A = arith.index_cast %scan3A_25 : i32 to index
        %swap3A_29 = arith.constant 0 : index
        %swap3A_30 = tpu.vector_load %arg6[%swap3A, %swap3A_29] {strides = array<i32>} : memref<128x128xf32, #tpu.memory_space<vmem>>, vector<16xf32>,
        tpu.vector_store %arg6[%swap3A, %swap3A_29], %gather3A {strides = array<i32>} : memref<128x128xf32, #tpu.memory_space<vmem>>, vector<16xf32>,
        %add3A_31 = arith.constant 16 : i32
        %add3A_32 = vector.broadcast %add3A_31 : i32 to vector<16xi32>
        %add3A_33 = arith.addi %add3A_32, %iota3A : vector<16xi32>
        %gather3A_34 = tpu.vector_load_idx %arg5[%add3A_33, %broadcast_in_dim3A] : memref<64x128xf32, #tpu.memory_space<vmem>>[vector<16xi32>, vector<16xi32>], vector<16xf32>,
        %swap3A_35 = arith.index_cast %scan3A_25 : i32 to index
        %swap3A_36 = arith.constant 16 : index
        %swap3A_37 = tpu.vector_load %arg6[%swap3A_35, %swap3A_36] {strides = array<i32>} : memref<128x128xf32, #tpu.memory_space<vmem>>, vector<16xf32>,
        tpu.vector_store %arg6[%swap3A_35, %swap3A_36], %gather3A_34 {strides = array<i32>} : memref<128x128xf32, #tpu.memory_space<vmem>>, vector<16xf32>,
        %add3A_38 = arith.constant 32 : i32
        %add3A_39 = vector.broadcast %add3A_38 : i32 to vector<16xi32>
        %add3A_40 = arith.addi %add3A_39, %iota3A : vector<16xi32>
        %gather3A_41 = tpu.vector_load_idx %arg5[%add3A_40, %broadcast_in_dim3A] : memref<64x128xf32, #tpu.memory_space<vmem>>[vector<16xi32>, vector<16xi32>], vector<16xf32>,
        %swap3A_42 = arith.index_cast %scan3A_25 : i32 to index
        %swap3A_43 = arith.constant 32 : index
        %swap3A_44 = tpu.vector_load %arg6[%swap3A_42, %swap3A_43] {strides = array<i32>} : memref<128x128xf32, #tpu.memory_space<vmem>>, vector<16xf32>,
        tpu.vector_store %arg6[%swap3A_42, %swap3A_43], %gather3A_41 {strides = array<i32>} : memref<128x128xf32, #tpu.memory_space<vmem>>, vector<16xf32>,
        %add3A_45 = arith.constant 48 : i32
        %add3A_46 = vector.broadcast %add3A_45 : i32 to vector<16xi32>
        %add3A_47 = arith.addi %add3A_46, %iota3A : vector<16xi32>
        %gather3A_48 = tpu.vector_load_idx %arg5[%add3A_47, %broadcast_in_dim3A] : memref<64x128xf32, #tpu.memory_space<vmem>>[vector<16xi32>, vector<16xi32>], vector<16xf32>,
        %swap3A_49 = arith.index_cast %scan3A_25 : i32 to index
        %swap3A_50 = arith.constant 48 : index
        %swap3A_51 = tpu.vector_load %arg6[%swap3A_49, %swap3A_50] {strides = array<i32>} : memref<128x128xf32, #tpu.memory_space<vmem>>, vector<16xf32>,
        tpu.vector_store %arg6[%swap3A_49, %swap3A_50], %gather3A_48 {strides = array<i32>} : memref<128x128xf32, #tpu.memory_space<vmem>>, vector<16xf32>,
        %scan3A_52 = arith.constant 1 : i32
        %scan3A_53 = arith.addi %scan3A_25, %scan3A_52 : i32
        %broadcast_in_dim3A_54 = vector.broadcast %scan3A_53 : i32 to vector<16xi32>
        %add3A_55 = arith.constant 0 : i32
        %add3A_56 = vector.broadcast %add3A_55 : i32 to vector<16xi32>
        %add3A_57 = arith.addi %add3A_56, %iota3A : vector<16xi32>
        %gather3A_58 = tpu.vector_load_idx %arg5[%add3A_57, %broadcast_in_dim3A_54] : memref<64x128xf32, #tpu.memory_space<vmem>>[vector<16xi32>, vector<16xi32>], vector<16xf32>,
        %swap3A_59 = arith.index_cast %scan3A_53 : i32 to index
        %swap3A_60 = arith.constant 0 : index
        %swap3A_61 = tpu.vector_load %arg6[%swap3A_59, %swap3A_60] {strides = array<i32>} : memref<128x128xf32, #tpu.memory_space<vmem>>, vector<16xf32>,
        tpu.vector_store %arg6[%swap3A_59, %swap3A_60], %gather3A_58 {strides = array<i32>} : memref<128x128xf32, #tpu.memory_space<vmem>>, vector<16xf32>,
        %add3A_62 = arith.constant 16 : i32
        %add3A_63 = vector.broadcast %add3A_62 : i32 to vector<16xi32>
        %add3A_64 = arith.addi %add3A_63, %iota3A : vector<16xi32>
        %gather3A_65 = tpu.vector_load_idx %arg5[%add3A_64, %broadcast_in_dim3A_54] : memref<64x128xf32, #tpu.memory_space<vmem>>[vector<16xi32>, vector<16xi32>], vector<16xf32>,
        %swap3A_66 = arith.index_cast %scan3A_53 : i32 to index
        %swap3A_67 = arith.constant 16 : index
        %swap3A_68 = tpu.vector_load %arg6[%swap3A_66, %swap3A_67] {strides = array<i32>} : memref<128x128xf32, #tpu.memory_space<vmem>>, vector<16xf32>,
        tpu.vector_store %arg6[%swap3A_66, %swap3A_67], %gather3A_65 {strides = array<i32>} : memref<128x128xf32, #tpu.memory_space<vmem>>, vector<16xf32>,
        %add3A_69 = arith.constant 32 : i32
        %add3A_70 = vector.broadcast %add3A_69 : i32 to vector<16xi32>
        %add3A_71 = arith.addi %add3A_70, %iota3A : vector<16xi32>
        %gather3A_72 = tpu.vector_load_idx %arg5[%add3A_71, %broadcast_in_dim3A_54] : memref<64x128xf32, #tpu.memory_space<vmem>>[vector<16xi32>, vector<16xi32>], vector<16xf32>,
        %swap3A_73 = arith.index_cast %scan3A_53 : i32 to index
        %swap3A_74 = arith.constant 32 : index
        %swap3A_75 = tpu.vector_load %arg6[%swap3A_73, %swap3A_74] {strides = array<i32>} : memref<128x128xf32, #tpu.memory_space<vmem>>, vector<16xf32>,
        tpu.vector_store %arg6[%swap3A_73, %swap3A_74], %gather3A_72 {strides = array<i32>} : memref<128x128xf32, #tpu.memory_space<vmem>>, vector<16xf32>,
        %add3A_76 = arith.constant 48 : i32
        %add3A_77 = vector.broadcast %add3A_76 : i32 to vector<16xi32>
        %add3A_78 = arith.addi %add3A_77, %iota3A : vector<16xi32>
        %gather3A_79 = tpu.vector_load_idx %arg5[%add3A_78, %broadcast_in_dim3A_54] : memref<64x128xf32, #tpu.memory_space<vmem>>[vector<16xi32>, vector<16xi32>], vector<16xf32>,
        %swap3A_80 = arith.index_cast %scan3A_53 : i32 to index
        %swap3A_81 = arith.constant 48 : index
        %swap3A_82 = tpu.vector_load %arg6[%swap3A_80, %swap3A_81] {strides = array<i32>} : memref<128x128xf32, #tpu.memory_space<vmem>>, vector<16xf32>,
        tpu.vector_store %arg6[%swap3A_80, %swap3A_81], %gather3A_79 {strides = array<i32>} : memref<128x128xf32, #tpu.memory_space<vmem>>, vector<16xf32>,
      }
      %scan3A_24 = arith.constant 128 : i32
      "tpu.region"() ({
        %run_scoped3A = tpu.sem_alloc : memref<!tpu.dma_semaphore, #tpu.memory_space<semaphore_mem>>
        %dma_start3A = arith.constant 0 : i32
        %dma_start3A_25 = tpu.memref_slice %arg4[%mul3A_19, %dma_start3A] : memref<1000000x128xf32, #tpu.memory_space<hbm>> -> memref<128x128xf32, #tpu.memory_space<hbm>>
        %dma_start3A_26 = arith.constant 0 : i32
        %dma_start3A_27 = tpu.memref_slice %arg4[%mul3A_19, %dma_start3A_26] : memref<1000000x128xf32, #tpu.memory_space<hbm>> -> memref<128x128xf32, #tpu.memory_space<hbm>>
        tpu.enqueue_dma source(%arg6 : memref<128x128xf32, #tpu.memory_space<vmem>>) target(%dma_start3A_27 : memref<128x128xf32, #tpu.memory_space<hbm>>) target_semaphore(%run_scoped3A : memref<!tpu.dma_semaphore, #tpu.memory_space<semaphore_mem>>)
        %dma_wait3A = arith.constant 0 : i32
        %dma_wait3A_28 = tpu.memref_slice %arg4[%mul3A_19, %dma_wait3A] : memref<1000000x128xf32, #tpu.memory_space<hbm>> -> memref<128x128xf32, #tpu.memory_space<hbm>>
        %dma_wait3A_29 = arith.constant 0 : i32
        %dma_wait3A_30 = tpu.memref_slice %arg4[%mul3A_19, %dma_wait3A_29] : memref<1000000x128xf32, #tpu.memory_space<hbm>> -> memref<128x128xf32, #tpu.memory_space<hbm>>
        tpu.wait_dma2 semaphore(%run_scoped3A : memref<!tpu.dma_semaphore, #tpu.memory_space<semaphore_mem>>) src(%arg6 : memref<128x128xf32, #tpu.memory_space<vmem>>) dst(%dma_wait3A_30 : memref<128x128xf32, #tpu.memory_space<hbm>>)
        tpu.yield
      }) : () -> ()
    }
    %while3A_11 = arith.constant 1 : i32
    scf.for %while3A_14 = %while3A_9 to %while3A_5 step %while3A_11  : i32 {
      %mul3A_15 = arith.constant 32 : i32
      %mul3A_16 = arith.muli %while3A_14, %mul3A_15 : i32
      %add3A_17 = arith.addi %add3A, %mul3A_16 : i32
      %mul3A_18 = arith.constant 128 : i32
      %mul3A_19 = arith.muli %add3A_17, %mul3A_18 : i32
      "tpu.region"() ({
        %run_scoped3A = tpu.sem_alloc : memref<!tpu.dma_semaphore, #tpu.memory_space<semaphore_mem>>
        %dma_start3A = arith.constant 0 : i32
        %dma_start3A_25 = tpu.memref_slice %arg2[%dma_start3A, %mul3A_19] : memref<64x1000000xf32, #tpu.memory_space<hbm>> -> memref<64x128xf32, #tpu.memory_space<hbm>>
        %dma_start3A_26 = arith.constant 0 : i32
        %dma_start3A_27 = tpu.memref_slice %arg2[%dma_start3A_26, %mul3A_19] : memref<64x1000000xf32, #tpu.memory_space<hbm>> -> memref<64x128xf32, #tpu.memory_space<hbm>>
        tpu.enqueue_dma source(%dma_start3A_27 : memref<64x128xf32, #tpu.memory_space<hbm>>) target(%arg5 : memref<64x128xf32, #tpu.memory_space<vmem>>) target_semaphore(%run_scoped3A : memref<!tpu.dma_semaphore, #tpu.memory_space<semaphore_mem>>)
        %dma_wait3A = arith.constant 0 : i32
        %dma_wait3A_28 = tpu.memref_slice %arg2[%dma_wait3A, %mul3A_19] : memref<64x1000000xf32, #tpu.memory_space<hbm>> -> memref<64x128xf32, #tpu.memory_space<hbm>>
        %dma_wait3A_29 = arith.constant 0 : i32
        %dma_wait3A_30 = tpu.memref_slice %arg2[%dma_wait3A_29, %mul3A_19] : memref<64x1000000xf32, #tpu.memory_space<hbm>> -> memref<64x128xf32, #tpu.memory_space<hbm>>
        tpu.wait_dma2 semaphore(%run_scoped3A : memref<!tpu.dma_semaphore, #tpu.memory_space<semaphore_mem>>) src(%dma_wait3A_30 : memref<64x128xf32, #tpu.memory_space<hbm>>) dst(%arg5 : memref<64x128xf32, #tpu.memory_space<vmem>>)
        tpu.yield
      }) : () -> ()
      %scan3A = arith.constant 0 : i32
      %scan3A_20 = arith.constant 0 : i32
      %scan3A_21 = arith.constant 128 : i32
      %scan3A_22 = arith.addi %scan3A_20, %scan3A_21 : i32
      %scan3A_23 = arith.constant 2 : i32
      scf.for %scan3A_25 = %scan3A_20 to %scan3A_22 step %scan3A_23  : i32 {
        %broadcast_in_dim3A = vector.broadcast %scan3A_25 : i32 to vector<16xi32>
        %add3A_26 = arith.constant 0 : i32
        %add3A_27 = vector.broadcast %add3A_26 : i32 to vector<16xi32>
        %add3A_28 = arith.addi %add3A_27, %iota3A : vector<16xi32>
        %gather3A = tpu.vector_load_idx %arg5[%add3A_28, %broadcast_in_dim3A] : memref<64x128xf32, #tpu.memory_space<vmem>>[vector<16xi32>, vector<16xi32>], vector<16xf32>,
        %swap3A = arith.index_cast %scan3A_25 : i32 to index
        %swap3A_29 = arith.constant 0 : index
        %swap3A_30 = tpu.vector_load %arg6[%swap3A, %swap3A_29] {strides = array<i32>} : memref<128x128xf32, #tpu.memory_space<vmem>>, vector<16xf32>,
        tpu.vector_store %arg6[%swap3A, %swap3A_29], %gather3A {strides = array<i32>} : memref<128x128xf32, #tpu.memory_space<vmem>>, vector<16xf32>,
        %add3A_31 = arith.constant 16 : i32
        %add3A_32 = vector.broadcast %add3A_31 : i32 to vector<16xi32>
        %add3A_33 = arith.addi %add3A_32, %iota3A : vector<16xi32>
        %gather3A_34 = tpu.vector_load_idx %arg5[%add3A_33, %broadcast_in_dim3A] : memref<64x128xf32, #tpu.memory_space<vmem>>[vector<16xi32>, vector<16xi32>], vector<16xf32>,
        %swap3A_35 = arith.index_cast %scan3A_25 : i32 to index
        %swap3A_36 = arith.constant 16 : index
        %swap3A_37 = tpu.vector_load %arg6[%swap3A_35, %swap3A_36] {strides = array<i32>} : memref<128x128xf32, #tpu.memory_space<vmem>>, vector<16xf32>,
        tpu.vector_store %arg6[%swap3A_35, %swap3A_36], %gather3A_34 {strides = array<i32>} : memref<128x128xf32, #tpu.memory_space<vmem>>, vector<16xf32>,
        %add3A_38 = arith.constant 32 : i32
        %add3A_39 = vector.broadcast %add3A_38 : i32 to vector<16xi32>
        %add3A_40 = arith.addi %add3A_39, %iota3A : vector<16xi32>
        %gather3A_41 = tpu.vector_load_idx %arg5[%add3A_40, %broadcast_in_dim3A] : memref<64x128xf32, #tpu.memory_space<vmem>>[vector<16xi32>, vector<16xi32>], vector<16xf32>,
        %swap3A_42 = arith.index_cast %scan3A_25 : i32 to index
        %swap3A_43 = arith.constant 32 : index
        %swap3A_44 = tpu.vector_load %arg6[%swap3A_42, %swap3A_43] {strides = array<i32>} : memref<128x128xf32, #tpu.memory_space<vmem>>, vector<16xf32>,
        tpu.vector_store %arg6[%swap3A_42, %swap3A_43], %gather3A_41 {strides = array<i32>} : memref<128x128xf32, #tpu.memory_space<vmem>>, vector<16xf32>,
        %add3A_45 = arith.constant 48 : i32
        %add3A_46 = vector.broadcast %add3A_45 : i32 to vector<16xi32>
        %add3A_47 = arith.addi %add3A_46, %iota3A : vector<16xi32>
        %gather3A_48 = tpu.vector_load_idx %arg5[%add3A_47, %broadcast_in_dim3A] : memref<64x128xf32, #tpu.memory_space<vmem>>[vector<16xi32>, vector<16xi32>], vector<16xf32>,
        %swap3A_49 = arith.index_cast %scan3A_25 : i32 to index
        %swap3A_50 = arith.constant 48 : index
        %swap3A_51 = tpu.vector_load %arg6[%swap3A_49, %swap3A_50] {strides = array<i32>} : memref<128x128xf32, #tpu.memory_space<vmem>>, vector<16xf32>,
        tpu.vector_store %arg6[%swap3A_49, %swap3A_50], %gather3A_48 {strides = array<i32>} : memref<128x128xf32, #tpu.memory_space<vmem>>, vector<16xf32>,
        %scan3A_52 = arith.constant 1 : i32
        %scan3A_53 = arith.addi %scan3A_25, %scan3A_52 : i32
        %broadcast_in_dim3A_54 = vector.broadcast %scan3A_53 : i32 to vector<16xi32>
        %add3A_55 = arith.constant 0 : i32
        %add3A_56 = vector.broadcast %add3A_55 : i32 to vector<16xi32>
        %add3A_57 = arith.addi %add3A_56, %iota3A : vector<16xi32>
        %gather3A_58 = tpu.vector_load_idx %arg5[%add3A_57, %broadcast_in_dim3A_54] : memref<64x128xf32, #tpu.memory_space<vmem>>[vector<16xi32>, vector<16xi32>], vector<16xf32>,
        %swap3A_59 = arith.index_cast %scan3A_53 : i32 to index
        %swap3A_60 = arith.constant 0 : index
        %swap3A_61 = tpu.vector_load %arg6[%swap3A_59, %swap3A_60] {strides = array<i32>} : memref<128x128xf32, #tpu.memory_space<vmem>>, vector<16xf32>,
        tpu.vector_store %arg6[%swap3A_59, %swap3A_60], %gather3A_58 {strides = array<i32>} : memref<128x128xf32, #tpu.memory_space<vmem>>, vector<16xf32>,
        %add3A_62 = arith.constant 16 : i32
        %add3A_63 = vector.broadcast %add3A_62 : i32 to vector<16xi32>
        %add3A_64 = arith.addi %add3A_63, %iota3A : vector<16xi32>
        %gather3A_65 = tpu.vector_load_idx %arg5[%add3A_64, %broadcast_in_dim3A_54] : memref<64x128xf32, #tpu.memory_space<vmem>>[vector<16xi32>, vector<16xi32>], vector<16xf32>,
        %swap3A_66 = arith.index_cast %scan3A_53 : i32 to index
        %swap3A_67 = arith.constant 16 : index
        %swap3A_68 = tpu.vector_load %arg6[%swap3A_66, %swap3A_67] {strides = array<i32>} : memref<128x128xf32, #tpu.memory_space<vmem>>, vector<16xf32>,
        tpu.vector_store %arg6[%swap3A_66, %swap3A_67], %gather3A_65 {strides = array<i32>} : memref<128x128xf32, #tpu.memory_space<vmem>>, vector<16xf32>,
        %add3A_69 = arith.constant 32 : i32
        %add3A_70 = vector.broadcast %add3A_69 : i32 to vector<16xi32>
        %add3A_71 = arith.addi %add3A_70, %iota3A : vector<16xi32>
        %gather3A_72 = tpu.vector_load_idx %arg5[%add3A_71, %broadcast_in_dim3A_54] : memref<64x128xf32, #tpu.memory_space<vmem>>[vector<16xi32>, vector<16xi32>], vector<16xf32>,
        %swap3A_73 = arith.index_cast %scan3A_53 : i32 to index
        %swap3A_74 = arith.constant 32 : index
        %swap3A_75 = tpu.vector_load %arg6[%swap3A_73, %swap3A_74] {strides = array<i32>} : memref<128x128xf32, #tpu.memory_space<vmem>>, vector<16xf32>,
        tpu.vector_store %arg6[%swap3A_73, %swap3A_74], %gather3A_72 {strides = array<i32>} : memref<128x128xf32, #tpu.memory_space<vmem>>, vector<16xf32>,
        %add3A_76 = arith.constant 48 : i32
        %add3A_77 = vector.broadcast %add3A_76 : i32 to vector<16xi32>
        %add3A_78 = arith.addi %add3A_77, %iota3A : vector<16xi32>
        %gather3A_79 = tpu.vector_load_idx %arg5[%add3A_78, %broadcast_in_dim3A_54] : memref<64x128xf32, #tpu.memory_space<vmem>>[vector<16xi32>, vector<16xi32>], vector<16xf32>,
        %swap3A_80 = arith.index_cast %scan3A_53 : i32 to index
        %swap3A_81 = arith.constant 48 : index
        %swap3A_82 = tpu.vector_load %arg6[%swap3A_80, %swap3A_81] {strides = array<i32>} : memref<128x128xf32, #tpu.memory_space<vmem>>, vector<16xf32>,
        tpu.vector_store %arg6[%swap3A_80, %swap3A_81], %gather3A_79 {strides = array<i32>} : memref<128x128xf32, #tpu.memory_space<vmem>>, vector<16xf32>,
      }
      %scan3A_24 = arith.constant 128 : i32
      "tpu.region"() ({
        %run_scoped3A = tpu.sem_alloc : memref<!tpu.dma_semaphore, #tpu.memory_space<semaphore_mem>>
        %dma_start3A = arith.constant 0 : i32
        %dma_start3A_25 = tpu.memref_slice %arg4[%mul3A_19, %dma_start3A] : memref<1000000x128xf32, #tpu.memory_space<hbm>> -> memref<128x128xf32, #tpu.memory_space<hbm>>
        %dma_start3A_26 = arith.constant 0 : i32
        %dma_start3A_27 = tpu.memref_slice %arg4[%mul3A_19, %dma_start3A_26] : memref<1000000x128xf32, #tpu.memory_space<hbm>> -> memref<128x128xf32, #tpu.memory_space<hbm>>
        tpu.enqueue_dma source(%arg6 : memref<128x128xf32, #tpu.memory_space<vmem>>) target(%dma_start3A_27 : memref<128x128xf32, #tpu.memory_space<hbm>>) target_semaphore(%run_scoped3A : memref<!tpu.dma_semaphore, #tpu.memory_space<semaphore_mem>>)
        %dma_wait3A = arith.constant 0 : i32
        %dma_wait3A_28 = tpu.memref_slice %arg4[%mul3A_19, %dma_wait3A] : memref<1000000x128xf32, #tpu.memory_space<hbm>> -> memref<128x128xf32, #tpu.memory_space<hbm>>
        %dma_wait3A_29 = arith.constant 0 : i32
        %dma_wait3A_30 = tpu.memref_slice %arg4[%mul3A_19, %dma_wait3A_29] : memref<1000000x128xf32, #tpu.memory_space<hbm>> -> memref<128x128xf32, #tpu.memory_space<hbm>>
        tpu.wait_dma2 semaphore(%run_scoped3A : memref<!tpu.dma_semaphore, #tpu.memory_space<semaphore_mem>>) src(%arg6 : memref<128x128xf32, #tpu.memory_space<vmem>>) dst(%dma_wait3A_30 : memref<128x128xf32, #tpu.memory_space<hbm>>)
        tpu.yield
      }) : () -> ()
    }
    %eq3A = arith.constant 31 : i32
    %eq3A_12 = arith.cmpi eq, %add3A, %eq3A : i32
    %convert_element_type3A = arith.extui %eq3A_12 : i1 to i32
    %cond3A = arith.constant 0 : i32
    %cond3A_13 = arith.cmpi ne, %convert_element_type3A, %cond3A : i32
    scf.if %cond3A_13 {
      "tpu.region"() ({
        %run_scoped3A = tpu.sem_alloc : memref<!tpu.dma_semaphore, #tpu.memory_space<semaphore_mem>>
        tpu.enqueue_dma source(%arg3 : memref<64x128xf32, #tpu.memory_space<hbm>>) target(%arg5 : memref<64x128xf32, #tpu.memory_space<vmem>>) target_semaphore(%run_scoped3A : memref<!tpu.dma_semaphore, #tpu.memory_space<semaphore_mem>>)
        tpu.wait_dma2 semaphore(%run_scoped3A : memref<!tpu.dma_semaphore, #tpu.memory_space<semaphore_mem>>) src(%arg3 : memref<64x128xf32, #tpu.memory_space<hbm>>) dst(%arg5 : memref<64x128xf32, #tpu.memory_space<vmem>>)
        tpu.yield
      }) : () -> ()
      %scan3A = arith.constant 0 : i32
      %scan3A_14 = arith.constant 0 : i32
      %scan3A_15 = arith.constant 64 : i32
      %scan3A_16 = arith.addi %scan3A_14, %scan3A_15 : i32
      %scan3A_17 = arith.constant 2 : i32
      scf.for %scan3A_19 = %scan3A_14 to %scan3A_16 step %scan3A_17  : i32 {
        %broadcast_in_dim3A = vector.broadcast %scan3A_19 : i32 to vector<16xi32>
        %add3A_20 = arith.constant 0 : i32
        %add3A_21 = vector.broadcast %add3A_20 : i32 to vector<16xi32>
        %add3A_22 = arith.addi %add3A_21, %iota3A : vector<16xi32>
        %gather3A = tpu.vector_load_idx %arg5[%add3A_22, %broadcast_in_dim3A] : memref<64x128xf32, #tpu.memory_space<vmem>>[vector<16xi32>, vector<16xi32>], vector<16xf32>,
        %swap3A = arith.index_cast %scan3A_19 : i32 to index
        %swap3A_23 = arith.constant 0 : index
        %swap3A_24 = tpu.vector_load %arg6[%swap3A, %swap3A_23] {strides = array<i32>} : memref<128x128xf32, #tpu.memory_space<vmem>>, vector<16xf32>,
        tpu.vector_store %arg6[%swap3A, %swap3A_23], %gather3A {strides = array<i32>} : memref<128x128xf32, #tpu.memory_space<vmem>>, vector<16xf32>,
        %add3A_25 = arith.constant 16 : i32
        %add3A_26 = vector.broadcast %add3A_25 : i32 to vector<16xi32>
        %add3A_27 = arith.addi %add3A_26, %iota3A : vector<16xi32>
        %gather3A_28 = tpu.vector_load_idx %arg5[%add3A_27, %broadcast_in_dim3A] : memref<64x128xf32, #tpu.memory_space<vmem>>[vector<16xi32>, vector<16xi32>], vector<16xf32>,
        %swap3A_29 = arith.index_cast %scan3A_19 : i32 to index
        %swap3A_30 = arith.constant 16 : index
        %swap3A_31 = tpu.vector_load %arg6[%swap3A_29, %swap3A_30] {strides = array<i32>} : memref<128x128xf32, #tpu.memory_space<vmem>>, vector<16xf32>,
        tpu.vector_store %arg6[%swap3A_29, %swap3A_30], %gather3A_28 {strides = array<i32>} : memref<128x128xf32, #tpu.memory_space<vmem>>, vector<16xf32>,
        %add3A_32 = arith.constant 32 : i32
        %add3A_33 = vector.broadcast %add3A_32 : i32 to vector<16xi32>
        %add3A_34 = arith.addi %add3A_33, %iota3A : vector<16xi32>
        %gather3A_35 = tpu.vector_load_idx %arg5[%add3A_34, %broadcast_in_dim3A] : memref<64x128xf32, #tpu.memory_space<vmem>>[vector<16xi32>, vector<16xi32>], vector<16xf32>,
        %swap3A_36 = arith.index_cast %scan3A_19 : i32 to index
        %swap3A_37 = arith.constant 32 : index
        %swap3A_38 = tpu.vector_load %arg6[%swap3A_36, %swap3A_37] {strides = array<i32>} : memref<128x128xf32, #tpu.memory_space<vmem>>, vector<16xf32>,
        tpu.vector_store %arg6[%swap3A_36, %swap3A_37], %gather3A_35 {strides = array<i32>} : memref<128x128xf32, #tpu.memory_space<vmem>>, vector<16xf32>,
        %add3A_39 = arith.constant 48 : i32
        %add3A_40 = vector.broadcast %add3A_39 : i32 to vector<16xi32>
        %add3A_41 = arith.addi %add3A_40, %iota3A : vector<16xi32>
        %gather3A_42 = tpu.vector_load_idx %arg5[%add3A_41, %broadcast_in_dim3A] : memref<64x128xf32, #tpu.memory_space<vmem>>[vector<16xi32>, vector<16xi32>], vector<16xf32>,
        %swap3A_43 = arith.index_cast %scan3A_19 : i32 to index
        %swap3A_44 = arith.constant 48 : index
        %swap3A_45 = tpu.vector_load %arg6[%swap3A_43, %swap3A_44] {strides = array<i32>} : memref<128x128xf32, #tpu.memory_space<vmem>>, vector<16xf32>,
        tpu.vector_store %arg6[%swap3A_43, %swap3A_44], %gather3A_42 {strides = array<i32>} : memref<128x128xf32, #tpu.memory_space<vmem>>, vector<16xf32>,
        %scan3A_46 = arith.constant 1 : i32
        %scan3A_47 = arith.addi %scan3A_19, %scan3A_46 : i32
        %broadcast_in_dim3A_48 = vector.broadcast %scan3A_47 : i32 to vector<16xi32>
        %add3A_49 = arith.constant 0 : i32
        %add3A_50 = vector.broadcast %add3A_49 : i32 to vector<16xi32>
        %add3A_51 = arith.addi %add3A_50, %iota3A : vector<16xi32>
        %gather3A_52 = tpu.vector_load_idx %arg5[%add3A_51, %broadcast_in_dim3A_48] : memref<64x128xf32, #tpu.memory_space<vmem>>[vector<16xi32>, vector<16xi32>], vector<16xf32>,
        %swap3A_53 = arith.index_cast %scan3A_47 : i32 to index
        %swap3A_54 = arith.constant 0 : index
        %swap3A_55 = tpu.vector_load %arg6[%swap3A_53, %swap3A_54] {strides = array<i32>} : memref<128x128xf32, #tpu.memory_space<vmem>>, vector<16xf32>,
        tpu.vector_store %arg6[%swap3A_53, %swap3A_54], %gather3A_52 {strides = array<i32>} : memref<128x128xf32, #tpu.memory_space<vmem>>, vector<16xf32>,
        %add3A_56 = arith.constant 16 : i32
        %add3A_57 = vector.broadcast %add3A_56 : i32 to vector<16xi32>
        %add3A_58 = arith.addi %add3A_57, %iota3A : vector<16xi32>
        %gather3A_59 = tpu.vector_load_idx %arg5[%add3A_58, %broadcast_in_dim3A_48] : memref<64x128xf32, #tpu.memory_space<vmem>>[vector<16xi32>, vector<16xi32>], vector<16xf32>,
        %swap3A_60 = arith.index_cast %scan3A_47 : i32 to index
        %swap3A_61 = arith.constant 16 : index
        %swap3A_62 = tpu.vector_load %arg6[%swap3A_60, %swap3A_61] {strides = array<i32>} : memref<128x128xf32, #tpu.memory_space<vmem>>, vector<16xf32>,
        tpu.vector_store %arg6[%swap3A_60, %swap3A_61], %gather3A_59 {strides = array<i32>} : memref<128x128xf32, #tpu.memory_space<vmem>>, vector<16xf32>,
        %add3A_63 = arith.constant 32 : i32
        %add3A_64 = vector.broadcast %add3A_63 : i32 to vector<16xi32>
        %add3A_65 = arith.addi %add3A_64, %iota3A : vector<16xi32>
        %gather3A_66 = tpu.vector_load_idx %arg5[%add3A_65, %broadcast_in_dim3A_48] : memref<64x128xf32, #tpu.memory_space<vmem>>[vector<16xi32>, vector<16xi32>], vector<16xf32>,
        %swap3A_67 = arith.index_cast %scan3A_47 : i32 to index
        %swap3A_68 = arith.constant 32 : index
        %swap3A_69 = tpu.vector_load %arg6[%swap3A_67, %swap3A_68] {strides = array<i32>} : memref<128x128xf32, #tpu.memory_space<vmem>>, vector<16xf32>,
        tpu.vector_store %arg6[%swap3A_67, %swap3A_68], %gather3A_66 {strides = array<i32>} : memref<128x128xf32, #tpu.memory_space<vmem>>, vector<16xf32>,
        %add3A_70 = arith.constant 48 : i32
        %add3A_71 = vector.broadcast %add3A_70 : i32 to vector<16xi32>
        %add3A_72 = arith.addi %add3A_71, %iota3A : vector<16xi32>
        %gather3A_73 = tpu.vector_load_idx %arg5[%add3A_72, %broadcast_in_dim3A_48] : memref<64x128xf32, #tpu.memory_space<vmem>>[vector<16xi32>, vector<16xi32>], vector<16xf32>,
        %swap3A_74 = arith.index_cast %scan3A_47 : i32 to index
        %swap3A_75 = arith.constant 48 : index
        %swap3A_76 = tpu.vector_load %arg6[%swap3A_74, %swap3A_75] {strides = array<i32>} : memref<128x128xf32, #tpu.memory_space<vmem>>, vector<16xf32>,
        tpu.vector_store %arg6[%swap3A_74, %swap3A_75], %gather3A_73 {strides = array<i32>} : memref<128x128xf32, #tpu.memory_space<vmem>>, vector<16xf32>,
      }
      %scan3A_18 = arith.constant 64 : i32
      "tpu.region"() ({
        %run_scoped3A = tpu.sem_alloc : memref<!tpu.dma_semaphore, #tpu.memory_space<semaphore_mem>>
        %dma_start3A = arith.constant 0 : i32
        %dma_start3A_19 = arith.constant 0 : i32
        %dma_start3A_20 = tpu.memref_slice %arg6[%dma_start3A, %dma_start3A_19] : memref<128x128xf32, #tpu.memory_space<vmem>> -> memref<64x128xf32, #tpu.memory_space<vmem>>
        %dma_start3A_21 = arith.constant 999936 : i32
        %dma_start3A_22 = arith.constant 0 : i32
        %dma_start3A_23 = tpu.memref_slice %arg4[%dma_start3A_21, %dma_start3A_22] : memref<1000000x128xf32, #tpu.memory_space<hbm>> -> memref<64x128xf32, #tpu.memory_space<hbm>>
        %dma_start3A_24 = arith.constant 999936 : i32
        %dma_start3A_25 = arith.constant 0 : i32
        %dma_start3A_26 = tpu.memref_slice %arg4[%dma_start3A_24, %dma_start3A_25] : memref<1000000x128xf32, #tpu.memory_space<hbm>> -> memref<64x128xf32, #tpu.memory_space<hbm>>
        %dma_start3A_27 = arith.constant 0 : i32
        %dma_start3A_28 = arith.constant 0 : i32
        %dma_start3A_29 = tpu.memref_slice %arg6[%dma_start3A_27, %dma_start3A_28] : memref<128x128xf32, #tpu.memory_space<vmem>> -> memref<64x128xf32, #tpu.memory_space<vmem>>
        tpu.enqueue_dma source(%dma_start3A_29 : memref<64x128xf32, #tpu.memory_space<vmem>>) target(%dma_start3A_26 : memref<64x128xf32, #tpu.memory_space<hbm>>) target_semaphore(%run_scoped3A : memref<!tpu.dma_semaphore, #tpu.memory_space<semaphore_mem>>)
        %dma_wait3A = arith.constant 0 : i32
        %dma_wait3A_30 = arith.constant 0 : i32
        %dma_wait3A_31 = tpu.memref_slice %arg6[%dma_wait3A, %dma_wait3A_30] : memref<128x128xf32, #tpu.memory_space<vmem>> -> memref<64x128xf32, #tpu.memory_space<vmem>>
        %dma_wait3A_32 = arith.constant 999936 : i32
        %dma_wait3A_33 = arith.constant 0 : i32
        %dma_wait3A_34 = tpu.memref_slice %arg4[%dma_wait3A_32, %dma_wait3A_33] : memref<1000000x128xf32, #tpu.memory_space<hbm>> -> memref<64x128xf32, #tpu.memory_space<hbm>>
        %dma_wait3A_35 = arith.constant 999936 : i32
        %dma_wait3A_36 = arith.constant 0 : i32
        %dma_wait3A_37 = tpu.memref_slice %arg4[%dma_wait3A_35, %dma_wait3A_36] : memref<1000000x128xf32, #tpu.memory_space<hbm>> -> memref<64x128xf32, #tpu.memory_space<hbm>>
        %dma_wait3A_38 = arith.constant 0 : i32
        %dma_wait3A_39 = arith.constant 0 : i32
        %dma_wait3A_40 = tpu.memref_slice %arg6[%dma_wait3A_38, %dma_wait3A_39] : memref<128x128xf32, #tpu.memory_space<vmem>> -> memref<64x128xf32, #tpu.memory_space<vmem>>
        tpu.wait_dma2 semaphore(%run_scoped3A : memref<!tpu.dma_semaphore, #tpu.memory_space<semaphore_mem>>) src(%dma_wait3A_40 : memref<64x128xf32, #tpu.memory_space<vmem>>) dst(%dma_wait3A_37 : memref<64x128xf32, #tpu.memory_space<hbm>>)
        tpu.yield
      }) : () -> ()
    } else {
    }
    return
  }
}

</mosaic_0001>

<sc_bundles>
// kernel: _prep_kernel.3.cloned.1.call-start
scs
__scs_entry_jumppad:
0x0: {  	(pc) =	sbr.rel $0x88, $3  }
0x1: {  	(tag) =	ssettag $0x0;
	lr =	simm.s32 $0x1  }
0x2: {  	[smem:$0x3F9F] =	sst lr;
	_ =	strace $0xD0000000  }
0x3: {  	_ = 	snop  }
0x4: {  	_ = 	snop  }
0x5: {  	_ = 	snop  }
0x6: {  	_ = 	snop  }
0x7: {  	_ = 	snop  }
__scs_overlays_trampoline_lowered:
0x8: {  	[smem:$0x3FAE] =	sst s0  }
0x9: {  	[smem:$0x3FAF] =	sst s1  }
0xa: {  	[smem:$0x3FB0] =	sst s2  }
0xb: {  	[smem:$0x3FB1] =	sst s3  }
0xc: {  	[smem:$0x3FB2] =	sst s4  }
0xd: {  	[smem:$0x3FB3] =	sst s5  }
0xe: {  	[smem:$0x3FB4] =	sst s6  }
0xf: {  	[smem:$0x3FB5] =	sst s7  }
0x10: {  	[smem:$0x3FB6] =	sst s8  }
0x11: {  	[smem:$0x3FB7] =	sst s9;
	s0 =	simm.s32 @!p0 $0x0  }
0x12: {  	s1 =	sld [smem:$0x3F9D];
	s0 =	simm.s32 @p0 $0x1  }
0x13: {  	[smem:$0x3FB8] =	sst s0;
	s0 =	simm.s32 @!p1 $0x0  }
0x14: {  	s2 =	sld [smem:$0x3F9C];
	s0 =	simm.s32 @p1 $0x1  }
0x15: {  	[smem:$0x3FB9] =	sst s0;
	s0 =	simm.s32 @!p2 $0x0  }
0x16: {  	s3 =	sld [smem:$0x3FDB];
	s0 =	simm.s32 @p2 $0x1  }
0x17: {  	s4 =	simm.s32 $0x1BF5;
	[smem:$0x3FBB] =	sst s0  }
0x18: {  	s0 =	sld [smem:$0x3F9E];
	_ =	swait.ge [sflag:s4], $0x0  }
0x19: {  	s7 =	sld [smem:$0x3F9F]  }
0x1a: {  	s8 =	sadd.s32 $0xFFFFE003, lr  }
0x1b: {  	s9 =	sadd.s32 $0xFFFFFEF7, lr;
	s5 =	simm.s32 $0xFFFFFFFF;
	p2 =	slt.u32 s8, $0xFFFFF086  }
0x1c: {  	p1 =	slt.u32 s9, $0xF7A;
	s5 =	simm.s32 @!p2 $0x0  }
0x1d: {  	s5 =	simm.s32 @p1 $0x1;
	p0 =	seq.s32 s7, s2  }
0x1e: {  	s7 =	smul.u32 @!p0 $0xF7A, s2;
	p2 =	seq.s32 @!p0 s5, $0x0  }
0x1f: {  	s9 =	smul.u32 $0xF7A, s1;
	s8 =	simm.s32 @!p0 $0x1BF5;
	p2 =	por !p2, p0  }
0x20: {  	[sflag:s8] =	ssyncset.s32 @!p0 $0xFFFFF086;
	s6 =	sadd.s32 @!p0 s3, s7;
	s7 =	simm.s32 @!p0 $0x108  }
0x21: {  	s3 =	sadd.s32 s3, s9;
	s6 =	sadd.s32 @!p0 $0x88, s6;
	s7 =	simm.s32 @p2 $0x1082  }
0x22: {  	[simem:s7], [sflag:s8] =	dma.local @!p0 [hbm:s6], $0xF7A  }
0x23: {  	s9 =	sor.u32 $0xD0000000, s2;
	s6 =	simm.s32 $0x108;
	_ =	swait.ge @!p0 [sflag:s8], $0x0  }
0x24: {  	s3 =	sadd.s32 $0x88, s3;
	s6 =	simm.s32 @!p1 $0x1082;
	[sflag:s4] =	ssyncset.s32 $0xFFFFF086  }
0x25: {  	[simem:s6], [sflag:s4] =	dma.local [hbm:s3], $0xF7A  }
0x26: {  	[smem:$0x3F9F] =	sst s1;
	(tag) =	ssettag s2;
	_ =	strace s9  }
0x27: {  	s1 =	sld [smem:$0x3FAF]  }
0x28: {  	s2 =	sld [smem:$0x3FB0]  }
0x29: {  	s4 =	sld [smem:$0x3FB2]  }
0x2a: {  	p0 =	seq.s32 s5, $0x0;
	s5 =	sld [smem:$0x3FB3]  }
0x2b: {  	s6 =	sld [smem:$0x3FB4]  }
0x2c: {  	s7 =	sld [smem:$0x3FB5]  }
0x2d: {  	s3 =	simm.s32 $0x108;
	s8 =	sld [smem:$0x3FB6]  }
0x2e: {  	s3 =	simm.s32 @!p0 $0x1082;
	s9 =	sld [smem:$0x3FB7]  }
0x2f: {  	lr =	sadd.s32 s0, s3;
	s0 =	sld [smem:$0x3FAE]  }
0x30: {  	s3 =	sld [smem:$0x3FB1]  }
0x31: {  	[smem:$0x3FBA] =	sst s10  }
0x32: {  	s10 =	sld [smem:$0x3FB8];
	_ =	sdelay $0x3  }
0x33: {  	p0 =	seq.s32 s10, $0x1;
	s10 =	sld [smem:$0x3FBA];
	_ =	sdelay $0x3  }
0x34: {  	[smem:$0x3FBA] =	sst s10  }
0x35: {  	s10 =	sld [smem:$0x3FB9];
	_ =	sdelay $0x3  }
0x36: {  	p1 =	seq.s32 s10, $0x1;
	s10 =	sld [smem:$0x3FBA];
	_ =	sdelay $0x3  }
0x37: {  	[smem:$0x3FBA] =	sst s10  }
0x38: {  	s10 =	sld [smem:$0x3FBB]  }
0x39: {  	_ = 	snop;
	(pc) =	sbr.ind lr, $3  }
0x3a: {  	_ = 	snop  }
0x3b: {  	_ = 	snop  }
0x3c: {  	p2 =	seq.s32 s10, $0x1;
	s10 =	sld [smem:$0x3FBA]  }
0x3d: {  	_ =	shalt  }
0x3e: {  	_ =	shalt  }
0x3f: {  	_ =	shalt  }
0x40: {  	_ =	shalt  }
0x41: {  	_ =	shalt  }
0x42: {  	_ =	shalt  }
0x43: {  	_ =	shalt  }
0x44: {  	_ =	shalt  }
0x45: {  	_ =	shalt  }
0x46: {  	_ =	shalt  }
0x47: {  	_ =	shalt  }
0x48: {  	_ =	shalt  }
0x49: {  	_ =	shalt  }
0x4a: {  	_ =	shalt  }
0x4b: {  	_ =	shalt  }
0x4c: {  	_ =	shalt  }
0x4d: {  	_ =	shalt  }
0x4e: {  	_ =	shalt  }
0x4f: {  	_ =	shalt  }
0x50: {  	_ =	shalt  }
0x51: {  	_ =	shalt  }
0x52: {  	_ =	shalt  }
0x53: {  	_ =	shalt  }
0x54: {  	_ =	shalt  }
0x55: {  	_ =	shalt  }
0x56: {  	_ =	shalt  }
0x57: {  	_ =	shalt  }
0x58: {  	_ =	shalt  }
0x59: {  	_ =	shalt  }
0x5a: {  	_ =	shalt  }
0x5b: {  	_ =	shalt  }
0x5c: {  	_ =	shalt  }
0x5d: {  	_ =	shalt  }
0x5e: {  	_ =	shalt  }
0x5f: {  	_ =	shalt  }
0x60: {  	_ =	shalt  }
0x61: {  	_ =	shalt  }
0x62: {  	_ =	shalt  }
0x63: {  	_ =	shalt  }
0x64: {  	_ =	shalt  }
0x65: {  	_ =	shalt  }
0x66: {  	_ =	shalt  }
0x67: {  	_ =	shalt  }
0x68: {  	_ =	shalt  }
0x69: {  	_ =	shalt  }
0x6a: {  	_ =	shalt  }
0x6b: {  	_ =	shalt  }
0x6c: {  	_ =	shalt  }
0x6d: {  	_ =	shalt  }
0x6e: {  	_ =	shalt  }
0x6f: {  	_ =	shalt  }
0x70: {  	_ =	shalt  }
0x71: {  	_ =	shalt  }
0x72: {  	_ =	shalt  }
0x73: {  	_ =	shalt  }
0x74: {  	_ =	shalt  }
0x75: {  	_ =	shalt  }
0x76: {  	_ =	shalt  }
0x77: {  	_ =	shalt  }
0x78: {  	_ =	shalt  }
0x79: {  	_ =	shalt  }
0x7a: {  	_ =	shalt  }
0x7b: {  	_ =	shalt  }
0x7c: {  	_ =	shalt  }
0x7d: {  	_ =	shalt  }
0x7e: {  	_ =	shalt  }
0x7f: {  	_ =	shalt  }
0x80: {  	_ =	shalt  }
0x81: {  	_ =	shalt  }
0x82: {  	_ =	shalt  }
0x83: {  	_ =	shalt  }
0x84: {  	_ =	shalt  }
0x85: {  	_ =	shalt  }
0x86: {  	_ =	shalt  }
0x87: {  	_ =	shalt  }
.Lfunc_end0:
.L_simem_size_0:
called_computation_lowered:
.L_overlay_start_0:
0x88: {  	s2 =	sld [smem:$0x3FD9]  }
0x89: {  	s3 =	sld [smem:$0x3FFE];
	_ =	sdelay $0x1  }
0x8a: {  	s1 =	srdreg.scid  }
0x8b: {  	s0 =	sand.u32 $0x1, s1  }
0x8c: {  	s18 =	sshll.u32 s0, $0xA;
	s2 =	sadd.s32 s3, s2  }
0x8d: {  	s2 =	sadd.s32 s2, s18  }
0x8e: {  	[smem:$0x3FC6] =	sst s2  }
0x8f: {  	_ = 	snop  }
0x90: {  	s2 =	sld [smem:$0x3FC9]  }
0x91: {  	s19 =	sld [smem:$0x3FC8]  }
0x92: {  	s4 =	sld [smem:$0x3FD0];
	(tm) =	ssettm $0x1  }
0x93: {  	s5 =	sld [smem:$0x3FFB];
	_ =	sdelay $0x3  }
0x94: {  	_ =	strace s5  }
0x95: {  	s5 =	sld [smem:$0x3FFC];
	_ =	sdelay $0x3  }
0x96: {  	_ =	strace s5  }
0x97: {  	s5 =	sld [smem:$0x3FFD];
	_ =	sdelay $0x3  }
0x98: {  	_ =	strace s5  }
0x99: {  	_ =	strace $0x8FFFFFFF  }
0x9a: {  	s20 =	sld [smem:$0x3FDB];
	_ =	sdelay $0x1  }
0x9b: {  	s6 =	simm.s32 $_scs_section_size  }
0x9c: {  	s7 =	simm.s32 $_size__tile_overlayer_lowered;
	s8 =	simm.s32 $_tile_overlayer_lowered  }
0x9d: {  	s23 =	simm.s32 $0x1BFF;
	s22 =	sshll.u32 s8, $0x1;
	s5 =	sadd.s32 s6, s20  }
0x9e: {  	s9 =	simm.s32 $0x0;
	s21 =	sshll.u32 s7, $0x1;
	s7 =	sadd.s32 s22, s5  }
0x9f: {  	[timem:s9], [sflag:s23] =	dma.local [hbm:s7], s21  }
0xa0: {  	_ =	swait.ge [sflag:s23], s21  }
0xa1: {  	s6 =	ssub.s32 $0x0, s21;
	[sflag:s23] =	ssyncset.done $0x0  }
0xa2: {  	[sflag:s23] =	ssyncadd.s32 s6;
	_ =	sdelay $0x1  }
0xa3: {  	s24 =	simm.s32 $0x1B8B  }
0xa4: {  	_ =	swait.ge [sflag:s24], $0x1  }
0xa5: {  	[sflag:s24] =	ssyncset.done $0x0  }
0xa6: {  	s25 =	simm.s32 $0x1B8E;
	[sflag:s24] =	ssyncadd.s32 $0xFFFFFFFF  }
0xa7: {  	s26 =	simm.s32 $execute0_lowered;
	[smem:$0x3FD2] =	sst s25  }
0xa8: {  	s6 =	sshll.u32 s26, $0x1;
	_ =	strace $0x80000046;
	[dreg:$0x1] =	wrdreg $0xFFFFFFFF  }
0xa9: {  	s28 =	simm.s32 $_size_execute0_lowered;
	s5 =	sadd.s32 s5, s6;
	[dreg:$0x0] =	wrdreg $0x0  }
0xaa: {  	s6 =	sshll.u32 s28, $0x1;
	[dreg:$0x2] =	wrdreg s5  }
0xab: {  	[dreg:$0x3] =	wrdreg s6  }
0xac: {  	[dreg:$0x4] =	wrdreg $0xC0  }
0xad: {  	_ =	task [dreg:s9], $0x5FFFF  }
0xae: {  	[dreg:$0x1] =	wrdreg $0xFFFFFFFF  }
0xaf: {  	[dreg:$0x0] =	wrdreg $0x60  }
0xb0: {  	[dreg:$0x2] =	wrdreg s2  }
0xb1: {  	[dreg:$0x3] =	wrdreg s19  }
0xb2: {  	[dreg:$0x4] =	wrdreg s4  }
0xb3: {  	[dreg:$0x5] =	wrdreg $0x9  }
0xb4: {  	_ =	task.clear_ibuf [dreg:s9], $0x6FFFF;
	_ =	strace $0x90000046  }
0xb5: {  	s29 =	simm.s32 $0x9;
	_ =	strace $0x80000048  }
0xb6: {  	_ =	swait.ge [sflag:s29], $0x1  }
0xb7: {  	[sflag:s29] =	ssyncadd.s32 $0xFFFFFFFF  }
0xb8: {  	_ =	strace $0x90000048  }
0xb9: {  	_ =	sfence  }
0xba: {  	s30 =	sld [smem:$0x0];
	_ =	sdelay $0x2  }
0xbb: {  	s31 =	sshll.u32 s1, $0xD;
	s1 =	sshrl.u32 s1, $0x2  }
0xbc: {  	s3 =	sand.u32 $0x4000, s31;
	s1 =	sadd.s32 s1, s30  }
0xbd: {  	s0 =	sor.u32 s3, s0;
	s1 =	sshll.u32 s1, $0x11  }
0xbe: {  	s0 =	sor.u32 s1, s0  }
0xbf: {  	s0 =	sadd.s32 $0x8F2B, s0  }
0xc0: {  	[sflag:s0] =	ssyncadd.remote.s32 $0x1  }
0xc1: {  	_ =	sfence.sel $0xFFFF  }
0xc2: {  	[dreg:$0x0] =	wrdreg $0xFFFFFFFF;
	(pc) =	sbr.abs _section_cstart, $3  }
0xc3: {  	[dreg:$0x1] =	wrdreg $0xFFFFFFFF  }
0xc4: {  	_ =	task.clear_ibuf [dreg:s9], $0x2FFFF;
	_ =	strace $0x9FFFFFFF  }
0xc5: {  	(tm) =	ssettm $0x7FFFFFFF  }
tec
execute0_lowered:
.L_overlay_start_1:
0x0: {  	(tag) =	ssettag $0x1  }
0x1: {  	s1 =	rddreg [dreg:$0x0]  }
0x2: {  	s2 =	rddreg [dreg:$0x1]  }
0x3: {  	s3 =	rddreg [dreg:$0x2];
	s5 =	srdreg.scid  }
0x4: {  	s0 =	rddreg [dreg:$0x3];
	s4 =	simm.s32 $0x0;
	s6 =	simm.s32 $0xF5  }
0x5: {  	s11 =	simm.s32 $0x7A1400;
	s12 =	simm.s32 $0x1;
	s13 =	simm.s32 $0x2000  }
0x6: {  	s7 =	sand.u32 $0x1, s5;
	[smem:$0x7FF] =	sst s4;
	s5 =	stileid.u32  }
.Ltmp0:
0x7: {  	s8 =	ssub.s32 $0x2, s7;
	_ =	strace $0x80000047;
	(pc) =	sbr.rel .LBB2_1-.Ltmp0, $4  }
0x8: {  	v0 =	vlaneseq.u32;
	s10 =	sshll.u32 s5, $0x1;
	p0 =	slt.u32 s5, $0x2;
	s9 =	sshrl.u32 s8, $0x1  }
0x9: {  	v0 =	vmul.u32 $0x80, v0;
	s14 =	sor.u32 s7, s10;
	s6 =	simm.s32 @!p0 $0xF4;
	s10 =	simm.s32 $0x400  }
0xa: {  	s9 =	ssub.s32 s8, s9;
	s7 =	sshll.u32 s14, $0x7;
	s8 =	sadd.s32 $0xF42000, s3  }
0xb: {  	v1 =	vor.u32 $0x800, v0;
	v2 =	vor.u32 $0x1000, v0;
	v3 =	vor.u32 $0x1800, v0;
	p0 =	sne.s32 s14, $0x1F;
	s14 =	simm.s32 $0x0;
	s9 =	smax.u32 s9, $0x1  }
.LBB2_9:
0xc: {  	s14 =	sadd.s32 $0x1, s14  }
0xd: {  	p1 =	sne.s32 s14, s9  }
.Ltmp1:
0xe: {  	_ = 	snop;
	(pc) =	sbr.rel @!p1 .LBB2_10-.Ltmp1, $1  }
0xf: {  	_ =	sdelay $0x3  }
.LBB2_1:
0x10: {  	s15 =	simm.s32 $0x0  }
.LBB2_2:
0x11: {  	s17 =	simm.s32 $0x0  }
0x12: {  	v4 =	vmov s17  }
0x13: {  	v4 =	vand.u32 $0x7E, v4  }
0x14: {  	s16 =	sshll.u32 s15, $0xC;
	v4 =	vbroadcast v4, $0x0  }
0x15: {  	s16 =	sor.u32 s7, s16  }
0x16: {  	s18 =	sadd.s32 s1, s16;
	v5 =	vor.u32 v0, v4  }
0x17: {  	[tilespmem:s17], [sflag:$0x1] =	stream.strided.gather [hbm4b:s18+s10], $0x2000, s11, s10, $0x38;
	[tilespmem:$0x6000] =	vst v63  }
0x18: {  	_ =	swait.ge [sflag:s12], $0x2000  }
0x19: {  	[sflag:s12] =	ssyncset.done $0x0  }
0x1a: {  	[sflag:s12] =	ssyncadd.s32 $0xFFFFE000  }
0x1b: {  	v5 =	vld.idx.msk [tilespmem:v5+s4+$0x0], $0xffff  }
0x1c: {  	v6 =	vor.u32 v1, v4;
	_ =	sdelay $0x2  }
0x1d: {  	s17 =	simm.s32 $0x2080  }
0x1e: {  	[tilespmem:s17+$0xFFFFFF80] =	vst v5  }
0x1f: {  	v5 =	vld.idx.msk [tilespmem:v6+s4+$0x0], $0xffff  }
0x20: {  	v6 =	vor.u32 v2, v4;
	_ =	sdelay $0x3  }
0x21: {  	[tilespmem:s17+$0xFFFFFF90] =	vst v5  }
0x22: {  	v5 =	vld.idx.msk [tilespmem:v6+s4+$0x0], $0xffff  }
0x23: {  	v4 =	vor.u32 v3, v4  }
0x24: {  	s31 =	simm.s32 $0x1  }
0x25: {  	v6 =	vmov s31  }
0x26: {  	v6 =	vand.u32 $0x7F, v6  }
0x27: {  	v6 =	vbroadcast v6, $0x0;
	[tilespmem:s17+$0xFFFFFFA0] =	vst v5  }
0x28: {  	v4 =	vld.idx.msk [tilespmem:v4+s4+$0x0], $0xffff  }
0x29: {  	v5 =	vor.u32 v0, v6;
	_ =	sdelay $0x3  }
0x2a: {  	[tilespmem:s17+$0xFFFFFFB0] =	vst v4  }
0x2b: {  	v4 =	vld.idx.msk [tilespmem:v5+s4+$0x0], $0xffff  }
0x2c: {  	v5 =	vor.u32 v1, v6;
	_ =	sdelay $0x3  }
0x2d: {  	[tilespmem:s17+$0x0] =	vst v4  }
0x2e: {  	v4 =	vld.idx.msk [tilespmem:v5+s4+$0x0], $0xffff  }
0x2f: {  	v5 =	vor.u32 v2, v6;
	_ =	sdelay $0x3  }
0x30: {  	[tilespmem:s17+$0x10] =	vst v4  }
0x31: {  	v5 =	vld.idx.msk [tilespmem:v5+s4+$0x0], $0xffff  }
0x32: {  	v4 =	vor.u32 v3, v6;
	_ =	sdelay $0x1  }
0x33: {  	s18 =	simm.s32 $0x2  }
0x34: {  	s19 =	simm.s32 $0x4;
	v6 =	vmov s18  }
.LBB2_3:
0x35: {  	p1 =	slt.u32 s19, $0x7E;
	v6 =	vand.u32 $0x7E, v6;
	[tilespmem:s17+$0x20] =	vst v5  }
0x36: {  	v5 =	vbroadcast v6, $0x0;
	v4 =	vld.idx.msk [tilespmem:v4+s4+$0x0], $0xffff;
	_ =	sdelay $0x1  }
0x37: {  	v6 =	vor.u32 v0, v5;
	_ =	sdelay $0x3  }
0x38: {  	[tilespmem:s17+$0x30] =	vst v4  }
0x39: {  	v4 =	vld.idx.msk [tilespmem:v6+s4+$0x0], $0xffff;
	_ =	sdelay $0x1  }
0x3a: {  	v6 =	vor.u32 v1, v5;
	_ =	sdelay $0x2  }
0x3b: {  	s17 =	sadd.s32 $0x100, s17  }
0x3c: {  	[tilespmem:s17+$0xFFFFFF80] =	vst v4  }
0x3d: {  	v4 =	vld.idx.msk [tilespmem:v6+s4+$0x0], $0xffff;
	_ =	sdelay $0x1  }
0x3e: {  	v6 =	vor.u32 v2, v5;
	_ =	sdelay $0x3  }
0x3f: {  	[tilespmem:s17+$0xFFFFFF90] =	vst v4  }
0x40: {  	v4 =	vld.idx.msk [tilespmem:v6+s4+$0x0], $0xffff;
	_ =	sdelay $0x1  }
0x41: {  	v5 =	vor.u32 v3, v5;
	_ =	sdelay $0x1  }
0x42: {  	s20 =	sadd.s32 $0x1, s18;
	s18 =	smov.u32 s19  }
0x43: {  	v6 =	vmov s20  }
0x44: {  	[tilespmem:s17+$0xFFFFFFA0] =	vst v4;
	v4 =	vand.u32 $0x7F, v6  }
0x45: {  	v5 =	vld.idx.msk [tilespmem:v5+s4+$0x0], $0xffff;
	v4 =	vbroadcast v4, $0x0;
	_ =	sdelay $0x1  }
0x46: {  	v6 =	vor.u32 v0, v4;
	_ =	sdelay $0x3  }
0x47: {  	[tilespmem:s17+$0xFFFFFFB0] =	vst v5  }
0x48: {  	v5 =	vld.idx.msk [tilespmem:v6+s4+$0x0], $0xffff;
	_ =	sdelay $0x1  }
0x49: {  	v6 =	vor.u32 v1, v4;
	_ =	sdelay $0x3  }
0x4a: {  	[tilespmem:s17+$0x0] =	vst v5  }
0x4b: {  	v5 =	vld.idx.msk [tilespmem:v6+s4+$0x0], $0xffff;
	_ =	sdelay $0x1  }
0x4c: {  	v6 =	vor.u32 v2, v4;
	_ =	sdelay $0x3  }
0x4d: {  	[tilespmem:s17+$0x10] =	vst v5  }
0x4e: {  	v5 =	vld.idx.msk [tilespmem:v6+s4+$0x0], $0xffff  }
.Ltmp2:
0x4f: {  	(pc) =	sbr.rel @p1 .LBB2_3-.Ltmp2, $2  }
0x50: {  	v4 =	vor.u32 v3, v4;
	_ =	sdelay $0x2  }
0x51: {  	s19 =	sadd.s32 $0x2, s19;
	v6 =	vmov s18  }
0x52: {  	_ =	sdelay $0x1  }
0x53: {  	v6 =	vand.u32 $0x7E, v6  }
0x54: {  	[tilespmem:s17+$0x20] =	vst v5;
	v5 =	vbroadcast v6, $0x0  }
0x55: {  	v4 =	vld.idx.msk [tilespmem:v4+s4+$0x0], $0xffff  }
0x56: {  	v6 =	vor.u32 v0, v5;
	_ =	sdelay $0x3  }
0x57: {  	[tilespmem:s17+$0x30] =	vst v4  }
0x58: {  	v4 =	vld.idx.msk [tilespmem:v6+s4+$0x0], $0xffff  }
0x59: {  	v59 =	vor.u32 v1, v5;
	_ =	sdelay $0x2  }
0x5a: {  	s31 =	sadd.s32 $0x100, s17  }
0x5b: {  	[tilespmem:s31+$0xFFFFFF80] =	vst v4  }
0x5c: {  	v4 =	vld.idx.msk [tilespmem:v59+s4+$0x0], $0xffff  }
0x5d: {  	v60 =	vor.u32 v2, v5;
	_ =	sdelay $0x3  }
0x5e: {  	[tilespmem:s31+$0xFFFFFF90] =	vst v4  }
0x5f: {  	v4 =	vld.idx.msk [tilespmem:v60+s4+$0x0], $0xffff  }
0x60: {  	v5 =	vor.u32 v3, v5  }
0x61: {  	s18 =	sadd.s32 $0x1, s18  }
0x62: {  	v61 =	vmov s18  }
0x63: {  	v6 =	vand.u32 $0x7F, v61  }
0x64: {  	[tilespmem:s31+$0xFFFFFFA0] =	vst v4;
	v4 =	vbroadcast v6, $0x0  }
0x65: {  	v5 =	vld.idx.msk [tilespmem:v5+s4+$0x0], $0xffff  }
0x66: {  	v6 =	vor.u32 v0, v4;
	_ =	sdelay $0x3  }
0x67: {  	[tilespmem:s31+$0xFFFFFFB0] =	vst v5  }
0x68: {  	v5 =	vld.idx.msk [tilespmem:v6+s4+$0x0], $0xffff  }
0x69: {  	v62 =	vor.u32 v1, v4;
	_ =	sdelay $0x3  }
0x6a: {  	[tilespmem:s31+$0x0] =	vst v5  }
0x6b: {  	v5 =	vld.idx.msk [tilespmem:v62+s4+$0x0], $0xffff  }
0x6c: {  	v63 =	vor.u32 v2, v4;
	_ =	sdelay $0x3  }
0x6d: {  	[tilespmem:s31+$0x10] =	vst v5  }
0x6e: {  	v5 =	vld.idx.msk [tilespmem:v63+s4+$0x0], $0xffff  }
0x6f: {  	v4 =	vor.u32 v3, v4;
	_ =	sdelay $0x3  }
0x70: {  	[tilespmem:s31+$0x20] =	vst v5  }
0x71: {  	v4 =	vld.idx.msk [tilespmem:v4+s4+$0x0], $0xffff;
	_ =	sdelay $0x2  }
0x72: {  	s15 =	sadd.s32 $0x1, s15  }
0x73: {  	s16 =	sshll.u32 s16, $0x4;
	p1 =	sne.s32 s15, s6  }
.Ltmp3:
0x74: {  	s16 =	sadd.s32 s3, s16;
	[tilespmem:s31+$0x30] =	vst v4;
	(pc) =	sbr.rel @p1 .LBB2_2-.Ltmp3, $4  }
0x75: {  	[hbm4b:s16+s4] =	stream.linear.scatter [tilespmem:s13], [sflag:$0x1], $0x4000, $0x38;
	[tilespmem:$0x6000] =	vst v63  }
0x76: {  	_ =	swait.ge [sflag:s12], $0x4000  }
0x77: {  	[sflag:s12] =	ssyncset.done $0x0  }
0x78: {  	[sflag:s12] =	ssyncadd.s32 $0xFFFFC000  }
.Ltmp4:
0x79: {  	(pc) =	sbr.rel @p0 .LBB2_9-.Ltmp4, $1  }
0x7a: {  	_ =	sdelay $0x3  }
0x7b: {  	s15 =	simm.s32 $0x0  }
0x7c: {  	v4 =	vmov s15  }
0x7d: {  	v4 =	vand.u32 $0x7E, v4  }
0x7e: {  	v4 =	vbroadcast v4, $0x0;
	_ =	sdelay $0x1  }
0x7f: {  	v5 =	vor.u32 v0, v4  }
0x80: {  	[tilespmem:s15], [sflag:$0x1] =	stream.linear.gather [hbm4b:s2+s15], $0x2000, $0x38;
	[tilespmem:$0x6000] =	vst v63  }
0x81: {  	_ =	swait.ge [sflag:s12], $0x2000  }
0x82: {  	[sflag:s12] =	ssyncset.done $0x0  }
0x83: {  	[sflag:s12] =	ssyncadd.s32 $0xFFFFE000  }
0x84: {  	v5 =	vld.idx.msk [tilespmem:v5+s4+$0x0], $0xffff  }
0x85: {  	v6 =	vor.u32 v1, v4;
	_ =	sdelay $0x2  }
0x86: {  	s15 =	simm.s32 $0x2080  }
0x87: {  	[tilespmem:s15+$0xFFFFFF80] =	vst v5  }
0x88: {  	v5 =	vld.idx.msk [tilespmem:v6+s4+$0x0], $0xffff  }
0x89: {  	v6 =	vor.u32 v2, v4;
	_ =	sdelay $0x3  }
0x8a: {  	[tilespmem:s15+$0xFFFFFF90] =	vst v5  }
0x8b: {  	v5 =	vld.idx.msk [tilespmem:v6+s4+$0x0], $0xffff  }
0x8c: {  	v4 =	vor.u32 v3, v4  }
0x8d: {  	s16 =	simm.s32 $0x1  }
0x8e: {  	v6 =	vmov s16  }
0x8f: {  	v6 =	vand.u32 $0x7F, v6  }
0x90: {  	v6 =	vbroadcast v6, $0x0;
	[tilespmem:s15+$0xFFFFFFA0] =	vst v5  }
0x91: {  	v4 =	vld.idx.msk [tilespmem:v4+s4+$0x0], $0xffff  }
0x92: {  	v5 =	vor.u32 v0, v6;
	_ =	sdelay $0x3  }
0x93: {  	[tilespmem:s15+$0xFFFFFFB0] =	vst v4  }
0x94: {  	v4 =	vld.idx.msk [tilespmem:v5+s4+$0x0], $0xffff  }
0x95: {  	v5 =	vor.u32 v1, v6;
	_ =	sdelay $0x3  }
0x96: {  	[tilespmem:s15+$0x0] =	vst v4  }
0x97: {  	v4 =	vld.idx.msk [tilespmem:v5+s4+$0x0], $0xffff  }
0x98: {  	v5 =	vor.u32 v2, v6;
	_ =	sdelay $0x3  }
0x99: {  	[tilespmem:s15+$0x10] =	vst v4  }
0x9a: {  	v5 =	vld.idx.msk [tilespmem:v5+s4+$0x0], $0xffff  }
0x9b: {  	v4 =	vor.u32 v3, v6;
	_ =	sdelay $0x1  }
0x9c: {  	s16 =	simm.s32 $0x2  }
0x9d: {  	s17 =	simm.s32 $0x4;
	v6 =	vmov s16  }
.LBB2_7:
0x9e: {  	p1 =	slt.u32 s17, $0x3E;
	v6 =	vand.u32 $0x7E, v6;
	[tilespmem:s15+$0x20] =	vst v5  }
0x9f: {  	v5 =	vbroadcast v6, $0x0;
	v4 =	vld.idx.msk [tilespmem:v4+s4+$0x0], $0xffff;
	_ =	sdelay $0x1  }
0xa0: {  	v6 =	vor.u32 v0, v5;
	_ =	sdelay $0x3  }
0xa1: {  	[tilespmem:s15+$0x30] =	vst v4  }
0xa2: {  	v4 =	vld.idx.msk [tilespmem:v6+s4+$0x0], $0xffff;
	_ =	sdelay $0x1  }
0xa3: {  	v6 =	vor.u32 v1, v5;
	_ =	sdelay $0x2  }
0xa4: {  	s15 =	sadd.s32 $0x100, s15  }
0xa5: {  	[tilespmem:s15+$0xFFFFFF80] =	vst v4  }
0xa6: {  	v4 =	vld.idx.msk [tilespmem:v6+s4+$0x0], $0xffff;
	_ =	sdelay $0x1  }
0xa7: {  	v6 =	vor.u32 v2, v5;
	_ =	sdelay $0x3  }
0xa8: {  	[tilespmem:s15+$0xFFFFFF90] =	vst v4  }
0xa9: {  	v4 =	vld.idx.msk [tilespmem:v6+s4+$0x0], $0xffff;
	_ =	sdelay $0x1  }
0xaa: {  	v5 =	vor.u32 v3, v5;
	_ =	sdelay $0x1  }
0xab: {  	s18 =	sadd.s32 $0x1, s16;
	s16 =	smov.u32 s17  }
0xac: {  	v6 =	vmov s18  }
0xad: {  	[tilespmem:s15+$0xFFFFFFA0] =	vst v4;
	v4 =	vand.u32 $0x7F, v6  }
0xae: {  	v5 =	vld.idx.msk [tilespmem:v5+s4+$0x0], $0xffff;
	v4 =	vbroadcast v4, $0x0;
	_ =	sdelay $0x1  }
0xaf: {  	v6 =	vor.u32 v0, v4;
	_ =	sdelay $0x3  }
0xb0: {  	[tilespmem:s15+$0xFFFFFFB0] =	vst v5  }
0xb1: {  	v5 =	vld.idx.msk [tilespmem:v6+s4+$0x0], $0xffff;
	_ =	sdelay $0x1  }
0xb2: {  	v6 =	vor.u32 v1, v4;
	_ =	sdelay $0x3  }
0xb3: {  	[tilespmem:s15+$0x0] =	vst v5  }
0xb4: {  	v5 =	vld.idx.msk [tilespmem:v6+s4+$0x0], $0xffff;
	_ =	sdelay $0x1  }
0xb5: {  	v6 =	vor.u32 v2, v4;
	_ =	sdelay $0x3  }
0xb6: {  	[tilespmem:s15+$0x10] =	vst v5  }
0xb7: {  	v5 =	vld.idx.msk [tilespmem:v6+s4+$0x0], $0xffff  }
.Ltmp5:
0xb8: {  	(pc) =	sbr.rel @p1 .LBB2_7-.Ltmp5, $2  }
0xb9: {  	v4 =	vor.u32 v3, v4;
	_ =	sdelay $0x2  }
0xba: {  	s17 =	sadd.s32 $0x2, s17;
	v6 =	vmov s16  }
0xbb: {  	_ =	sdelay $0x1  }
0xbc: {  	v6 =	vand.u32 $0x7E, v6  }
0xbd: {  	[tilespmem:s15+$0x20] =	vst v5;
	v5 =	vbroadcast v6, $0x0  }
0xbe: {  	v4 =	vld.idx.msk [tilespmem:v4+s4+$0x0], $0xffff  }
0xbf: {  	v6 =	vor.u32 v0, v5;
	_ =	sdelay $0x3  }
0xc0: {  	[tilespmem:s15+$0x30] =	vst v4  }
0xc1: {  	v4 =	vld.idx.msk [tilespmem:v6+s4+$0x0], $0xffff  }
0xc2: {  	v59 =	vor.u32 v1, v5;
	_ =	sdelay $0x2  }
0xc3: {  	s31 =	sadd.s32 $0x100, s15  }
0xc4: {  	[tilespmem:s31+$0xFFFFFF80] =	vst v4  }
0xc5: {  	v4 =	vld.idx.msk [tilespmem:v59+s4+$0x0], $0xffff  }
0xc6: {  	v60 =	vor.u32 v2, v5;
	_ =	sdelay $0x3  }
0xc7: {  	[tilespmem:s31+$0xFFFFFF90] =	vst v4  }
0xc8: {  	v4 =	vld.idx.msk [tilespmem:v60+s4+$0x0], $0xffff  }
0xc9: {  	v5 =	vor.u32 v3, v5  }
0xca: {  	s16 =	sadd.s32 $0x1, s16  }
0xcb: {  	v61 =	vmov s16  }
0xcc: {  	v6 =	vand.u32 $0x7F, v61  }
0xcd: {  	[tilespmem:s31+$0xFFFFFFA0] =	vst v4;
	v4 =	vbroadcast v6, $0x0  }
0xce: {  	v5 =	vld.idx.msk [tilespmem:v5+s4+$0x0], $0xffff  }
0xcf: {  	v6 =	vor.u32 v0, v4;
	_ =	sdelay $0x3  }
0xd0: {  	[tilespmem:s31+$0xFFFFFFB0] =	vst v5  }
0xd1: {  	v5 =	vld.idx.msk [tilespmem:v6+s4+$0x0], $0xffff  }
0xd2: {  	v62 =	vor.u32 v1, v4;
	_ =	sdelay $0x3  }
0xd3: {  	[tilespmem:s31+$0x0] =	vst v5  }
0xd4: {  	v5 =	vld.idx.msk [tilespmem:v62+s4+$0x0], $0xffff  }
0xd5: {  	v63 =	vor.u32 v2, v4;
	_ =	sdelay $0x3  }
0xd6: {  	[tilespmem:s31+$0x10] =	vst v5  }
0xd7: {  	v5 =	vld.idx.msk [tilespmem:v63+s4+$0x0], $0xffff  }
0xd8: {  	v4 =	vor.u32 v3, v4;
	_ =	sdelay $0x3  }
0xd9: {  	[tilespmem:s31+$0x20] =	vst v5  }
0xda: {  	v4 =	vld.idx.msk [tilespmem:v4+s4+$0x0], $0xffff;
	_ =	sdelay $0x4  }
.Ltmp6:
0xdb: {  	[tilespmem:s31+$0x30] =	vst v4;
	(pc) =	sbr.rel .LBB2_9-.Ltmp6, $4  }
0xdc: {  	[hbm4b:s8+s4] =	stream.linear.scatter [tilespmem:s13], [sflag:$0x1], $0x2000, $0x38;
	[tilespmem:$0x6000] =	vst v63  }
0xdd: {  	_ =	swait.ge [sflag:s12], $0x2000  }
0xde: {  	[sflag:s12] =	ssyncset.done $0x0  }
0xdf: {  	[sflag:s12] =	ssyncadd.s32 $0xFFFFE000  }
.LBB2_10:
0xe0: {  	_ =	sfence.sel $0x180000  }
0xe1: {  	[bflag:$0x0] =	sbarrier.arrive $0xFFFF  }
0xe2: {  	p0 =	sne.s32 s5, $0x0;
	_ =	strace $0x90000047  }
0xe3: {  	s0 =	sadd.s32 @!p0 $0x100000, s0;
	[bflag:$0x2] =	sbarrier.arrive $0xFFFF  }
0xe4: {  	[sflag:s0] =	ssyncadd.tile.s32 @!p0 $0x1;
	_ =	shalt  }
.Lfunc_end2:
_tile_overlayer_lowered:
.L_overlay_start_2:
0xe5: {  	(tag) =	ssettag $0x2  }
0xe6: {  	s0 =	rddreg [dreg:$0x0];
	s2 =	stileid.u32  }
0xe7: {  	s1 =	rddreg [dreg:$0x1];
	p0 =	sne.s32 s2, $0x0  }
0xe8: {  	s3 =	rddreg [dreg:$0x2];
	[bflag:$0x3] =	sbarrier.arrive $0xFFFF;
	s2 =	simm.s32 @!p0 $0x1C01  }
0xe9: {  	[timem:s3], [sflag:s2] =	dma.local @!p0 [hbm:s0], s1  }
0xea: {  	s0 =	simm.s32 @!p0 $0x1  }
0xeb: {  	_ =	swait.ge @!p0 [sflag:s0], s1  }
0xec: {  	s1 =	ssub.s32 @!p0 $0x0, s1;
	[sflag:s0] =	ssyncset.done @!p0 $0x0  }
0xed: {  	[sflag:s0] =	ssyncadd.s32 @!p0 s1  }
0xee: {  	[bflag:$0x3] =	sbarrier.arrive $0xFFFF  }
0xef: {  	_ =	shalt  }

</sc_bundles>
